<compile_context>
chip_gen: v7x
topology: tpu7x:2x2x1
jax: 0.10.2.dev20260603
libtpu: 0.0.44.dev20260713+nightly
codegen_flags: <defaults>
</compile_context>

<pallas_src>
import jax
import jax.numpy as jnp
import numpy as np
from jax.experimental import pallas as pl

EPS = 1e-5
NSAMPLE = [8, 16, 16, 16, 16]
STRIDE = [1, 4, 4, 4, 4]


def _fps_impl(p, m):
    n = p.shape[0]
    def body(i, carry):
        dist, idxs, last = carry
        d = jnp.sum((p - p[last]) ** 2, axis=1)
        dist = jnp.minimum(dist, d)
        nxt = jnp.argmax(dist).astype(jnp.int32)
        idxs = idxs.at[i].set(nxt)
        return (dist, idxs, nxt)
    dist0 = jnp.full((n,), 1e10, dtype=jnp.float32)
    idxs0 = jnp.zeros((m,), dtype=jnp.int32)
    _, idxs, _ = jax.lax.fori_loop(1, m, body, (dist0, idxs0, jnp.int32(0)))
    return idxs


def _td(p, x, w, g, b, stride, nsample):
    if stride == 1:
        h = jnp.einsum('bnc,cd->bnd', x, w)
        mean = h.mean(axis=(0, 1))
        var = h.var(axis=(0, 1))
        h = (h - mean) / jnp.sqrt(var + EPS) * g + b
        return p, jax.nn.relu(h)
    bsz, n, _ = p.shape
    m = n // stride
    fps_idx = jax.vmap(lambda pb: _fps_impl(pb, m))(p)
    n_p = jnp.take_along_axis(p, fps_idx[..., None], axis=1)
    d = jnp.sum((n_p[:, :, None, :] - p[:, None, :, :]) ** 2, axis=-1)
    _, knn_idx = jax.lax.top_k(-d, nsample)
    grouped_p = jax.vmap(lambda pb, ib: pb[ib])(p, knn_idx)
    grouped_x = jax.vmap(lambda xb, ib: xb[ib])(x, knn_idx)
    rel = grouped_p - n_p[:, :, None, :]
    feats = jnp.concatenate([rel, grouped_x], axis=-1)
    h = jnp.einsum('bmkc,cd->bmkd', feats, w)
    mean = h.mean(axis=(0, 1, 2))
    var = h.var(axis=(0, 1, 2))
    h = (h - mean) / jnp.sqrt(var + EPS) * g + b
    h = jax.nn.relu(h)
    h = h.max(axis=2)
    return n_p, h


def _head_kernel(x_ref, wo1_ref, bo1_ref, wo2_ref, bo2_ref, out_ref):
    x = x_ref[...].mean(axis=1)
    h = jax.nn.relu(jnp.dot(x, wo1_ref[...], preferred_element_type=jnp.float32) + bo1_ref[...])
    h = h + x
    out_ref[...] = jnp.dot(h, wo2_ref[...], preferred_element_type=jnp.float32) + bo2_ref[...]


def kernel(coord, feat, offset, w1, g1, b1, w2, g2, b2, w3, g3, b3, w4, g4, b4, w5, g5, b5, wo1, bo1, wo2, bo2):
    bsz = offset.shape[0]
    n = coord.shape[0] // bsz
    p = coord.reshape(bsz, n, 3)
    f = feat.reshape(bsz, n, -1)
    x = jnp.concatenate([p, f], axis=-1)
    params = dict(w1=w1, g1=g1, b1=b1, w2=w2, g2=g2, b2=b2, w3=w3, g3=g3, b3=b3,
                  w4=w4, g4=g4, b4=b4, w5=w5, g5=g5, b5=b5)
    for i in range(5):
        p, x = _td(p, x, params['w%d' % (i + 1)], params['g%d' % (i + 1)],
                   params['b%d' % (i + 1)], STRIDE[i], NSAMPLE[i])
    return pl.pallas_call(
        _head_kernel,
        out_shape=jax.ShapeDtypeStruct((bsz, 6), jnp.float32),
    )(x, wo1, bo1, wo2, bo2)

# --- scband reference (transcript-rebuilt; emitter-appended) ---
"""Pipeline reference for scband-point-transformer-feat-32409823216141 (READ-ONLY COPY).

The authoritative reference and input builder live on the scoring server;
editing this copy changes nothing except your own understanding.
"""

import jax, jax.numpy as jnp
import numpy as np

B = 16
N0 = 2048
PLANES = [32, 64, 128, 256, 512]
NSAMPLE = [8, 16, 16, 16, 16]
STRIDE = [1, 4, 4, 4, 4]
EPS = 1e-5


def setup_inputs(seed: int = 0):
    key = jax.random.key(seed)
    ks = jax.random.split(key, 16)
    coord = jax.random.uniform(ks[0], (B * N0, 3), dtype=jnp.float32)
    feat = jax.random.normal(ks[1], (B * N0, 3), dtype=jnp.float32)
    offset = jnp.arange(1, B + 1, dtype=jnp.int32) * N0
    inp = {'coord': coord, 'feat': feat, 'offset': offset}
    in_dims = [6, 3 + 32, 3 + 64, 3 + 128, 3 + 256]
    for i in range(5):
        inp['w%d' % (i + 1)] = jax.random.normal(ks[2 + i], (in_dims[i], PLANES[i]), dtype=jnp.float32) / np.sqrt(in_dims[i])
        inp['g%d' % (i + 1)] = jnp.ones((PLANES[i],), dtype=jnp.float32)
        inp['b%d' % (i + 1)] = jnp.zeros((PLANES[i],), dtype=jnp.float32)
    inp['wo1'] = jax.random.normal(ks[7], (512, 512), dtype=jnp.float32) / np.sqrt(512.0)
    inp['bo1'] = jnp.zeros((512,), dtype=jnp.float32)
    inp['wo2'] = jax.random.normal(ks[8], (512, 6), dtype=jnp.float32) / np.sqrt(512.0)
    inp['bo2'] = jnp.zeros((6,), dtype=jnp.float32)
    return inp


def _fps(p, m):
    n = p.shape[0]
    def body(i, carry):
        dist, idxs, last = carry
        d = jnp.sum((p - p[last]) ** 2, axis=1)
        dist = jnp.minimum(dist, d)
        nxt = jnp.argmax(dist).astype(jnp.int32)
        idxs = idxs.at[i].set(nxt)
        return (dist, idxs, nxt)
    dist0 = jnp.full((n,), 1e10, dtype=jnp.float32)
    idxs0 = jnp.zeros((m,), dtype=jnp.int32)
    _, idxs, _ = jax.lax.fori_loop(1, m, body, (dist0, idxs0, jnp.int32(0)))
    return idxs


def _transition_down(p, x, w, g, b, stride, nsample):
    if stride == 1:
        h = jnp.einsum('bnc,cd->bnd', x, w)
        mean = h.mean(axis=(0, 1))
        var = h.var(axis=(0, 1))
        h = (h - mean) / jnp.sqrt(var + EPS) * g + b
        return p, jax.nn.relu(h)
    bsz, n, _ = p.shape
    m = n // stride
    p_sg = jax.lax.stop_gradient(p)
    fps_idx = jax.vmap(lambda pb: _fps(pb, m))(p_sg)
    n_p = jnp.take_along_axis(p, fps_idx[..., None], axis=1)
    d = jnp.sum((jax.lax.stop_gradient(n_p)[:, :, None, :] - p_sg[:, None, :, :]) ** 2, axis=-1)
    _, knn_idx = jax.lax.top_k(-d, nsample)
    grouped_p = jax.vmap(lambda pb, ib: pb[ib])(p, knn_idx)
    grouped_x = jax.vmap(lambda xb, ib: xb[ib])(x, knn_idx)
    rel = grouped_p - n_p[:, :, None, :]
    feats = jnp.concatenate([rel, grouped_x], axis=-1)
    h = jnp.einsum('bmkc,cd->bmkd', feats, w)
    mean = h.mean(axis=(0, 1, 2))
    var = h.var(axis=(0, 1, 2))
    h = (h - mean) / jnp.sqrt(var + EPS) * g + b
    h = jax.nn.relu(h)
    h = h.max(axis=2)
    return n_p, h


def _forward(coord, feat, offset, params):
    bsz = offset.shape[0]
    n = coord.shape[0] // bsz
    p = coord.reshape(bsz, n, 3)
    f = feat.reshape(bsz, n, -1)
    x = jnp.concatenate([p, f], axis=-1)
    for i in range(5):
        w = params['w%d' % (i + 1)]
        g = params['g%d' % (i + 1)]
        b = params['b%d' % (i + 1)]
        p, x = _transition_down(p, x, w, g, b, STRIDE[i], NSAMPLE[i])
    x = x.mean(axis=1)
    h = jax.nn.relu(x @ params['wo1'] + params['bo1'])
    h = h + x
    return h @ params['wo2'] + params['bo2']


def reference(coord, feat, offset, w1, g1, b1, w2, g2, b2, w3, g3, b3, w4, g4, b4, w5, g5, b5, wo1, bo1, wo2, bo2):
    params = dict(w1=w1, g1=g1, b1=b1, w2=w2, g2=g2, b2=b2, w3=w3, g3=g3, b3=b3, w4=w4, g4=g4, b4=b4, w5=w5, g5=g5, b5=b5, wo1=wo1, bo1=bo1, wo2=wo2, bo2=bo2)
    return _forward(coord, feat, offset, params)

if __name__ == "__main__":
    import jax
    _d = setup_inputs()
    print(jax.jit(kernel)(*tuple(_d.values())))

</pallas_src>

<mosaic_0001>
module attributes {stable_mosaic.version = 14 : i64} {
  func.func @_head_kernel(%arg0: memref<16x8x512xf32, #tpu.memory_space<vmem>>, %arg1: memref<512x512xf32, #tpu.memory_space<vmem>>, %arg2: memref<512xf32, #tpu.memory_space<vmem>>, %arg3: memref<512x6xf32, #tpu.memory_space<vmem>>, %arg4: memref<6xf32, #tpu.memory_space<vmem>>, %arg5: memref<16x6xf32, #tpu.memory_space<vmem>>) attributes {dimension_semantics = [], scalar_prefetch = 0 : i64, scratch_operands = 0 : i64, tpu.core_type = #tpu.core_type<tc>} {
    %get3A = arith.constant 0 : index
    %get3A_0 = arith.constant 0 : index
    %get3A_1 = arith.constant 0 : index
    %get3A_2 = vector.load %arg0[%get3A, %get3A_0, %get3A_1] : memref<16x8x512xf32, #tpu.memory_space<vmem>>, vector<16x8x512xf32>
    %reduce_sum3A = arith.constant dense<0.000000e+00> : vector<16x512xf32>
    %reduce_sum3A_3 = vector.multi_reduction <add>, %get3A_2, %reduce_sum3A [1] : vector<16x8x512xf32> to vector<16x512xf32>
    %div3A = arith.constant 8.000000e+00 : f32
    %div3A_4 = vector.broadcast %div3A : f32 to vector<16x512xf32>
    %div3A_5 = arith.divf %reduce_sum3A_3, %div3A_4 : vector<16x512xf32>
    %get3A_6 = arith.constant 0 : index
    %get3A_7 = arith.constant 0 : index
    %get3A_8 = vector.load %arg1[%get3A_6, %get3A_7] : memref<512x512xf32, #tpu.memory_space<vmem>>, vector<512x512xf32>
    %dot_general3A = arith.constant dense<0.000000e+00> : vector<16x512xf32>
    %dot_general3A_9 = tpu.matmul %div3A_5, %get3A_8, %dot_general3A {dimension_numbers = #tpu.dot_dimension_numbers<[1], [0], [0], [1], [0, 0, 1, 1], [], []>, transpose_lhs_hint = false} : vector<16x512xf32>, vector<512x512xf32>, vector<16x512xf32> -> vector<16x512xf32>
    %get3A_10 = arith.constant 0 : index
    %get3A_11 = vector.load %arg2[%get3A_10] : memref<512xf32, #tpu.memory_space<vmem>>, vector<512xf32>
    %broadcast_in_dim3A = vector.shape_cast %get3A_11 : vector<512xf32> to vector<1x512xf32>
    %add3A = vector.broadcast %broadcast_in_dim3A : vector<1x512xf32> to vector<16x512xf32>
    %add3A_12 = arith.addf %dot_general3A_9, %add3A : vector<16x512xf32>
    %max3A = arith.constant 0.000000e+00 : f32
    %max3A_13 = vector.broadcast %max3A : f32 to vector<16x512xf32>
    %max3A_14 = arith.maximumf %add3A_12, %max3A_13 : vector<16x512xf32>
    %add3A_15 = arith.addf %max3A_14, %div3A_5 : vector<16x512xf32>
    %get3A_16 = arith.constant 0 : index
    %get3A_17 = arith.constant 0 : index
    %get3A_18 = vector.load %arg3[%get3A_16, %get3A_17] : memref<512x6xf32, #tpu.memory_space<vmem>>, vector<512x6xf32>
    %dot_general3A_19 = arith.constant dense<0.000000e+00> : vector<16x6xf32>
    %dot_general3A_20 = tpu.matmul %add3A_15, %get3A_18, %dot_general3A_19 {dimension_numbers = #tpu.dot_dimension_numbers<[1], [0], [0], [1], [0, 0, 1, 1], [], []>, transpose_lhs_hint = false} : vector<16x512xf32>, vector<512x6xf32>, vector<16x6xf32> -> vector<16x6xf32>
    %get3A_21 = arith.constant 0 : index
    %get3A_22 = vector.load %arg4[%get3A_21] : memref<6xf32, #tpu.memory_space<vmem>>, vector<6xf32>
    %broadcast_in_dim3A_23 = vector.shape_cast %get3A_22 : vector<6xf32> to vector<1x6xf32>
    %add3A_24 = vector.broadcast %broadcast_in_dim3A_23 : vector<1x6xf32> to vector<16x6xf32>
    %add3A_25 = arith.addf %dot_general3A_20, %add3A_24 : vector<16x6xf32>
    %swap3A = arith.constant 0 : index
    %swap3A_26 = arith.constant 0 : index
    %swap3A_27 = vector.load %arg5[%swap3A, %swap3A_26] : memref<16x6xf32, #tpu.memory_space<vmem>>, vector<16x6xf32>
    tpu.vector_store %arg5[%swap3A, %swap3A_26], %add3A_25 {strides = array<i32>} : memref<16x6xf32, #tpu.memory_space<vmem>>, vector<16x6xf32>,
    return
  }
}

</mosaic_0001>

<sc_bundles>
// kernel: gather_offload_async_start.1
scs
__scs_entry_jumppad:
0x0: {  	(pc) =	sbr.rel $0x88, $3  }
0x1: {  	(tag) =	ssettag $0x0;
	lr =	simm.s32 $0x1  }
0x2: {  	[smem:$0x3F8C] =	sst lr;
	_ =	strace $0xD0000000  }
0x3: {  	_ = 	snop  }
0x4: {  	_ = 	snop  }
0x5: {  	_ = 	snop  }
0x6: {  	_ = 	snop  }
0x7: {  	_ = 	snop  }
__scs_overlays_trampoline_lowered:
0x8: {  	[smem:$0x3F9B] =	sst s0  }
0x9: {  	[smem:$0x3F9C] =	sst s1  }
0xa: {  	[smem:$0x3F9D] =	sst s2  }
0xb: {  	[smem:$0x3F9E] =	sst s3  }
0xc: {  	[smem:$0x3F9F] =	sst s4  }
0xd: {  	[smem:$0x3FA0] =	sst s5  }
0xe: {  	[smem:$0x3FA1] =	sst s6  }
0xf: {  	[smem:$0x3FA2] =	sst s7  }
0x10: {  	[smem:$0x3FA3] =	sst s8  }
0x11: {  	[smem:$0x3FA4] =	sst s9;
	s0 =	simm.s32 @!p0 $0x0  }
0x12: {  	s1 =	sld [smem:$0x3F8A];
	s0 =	simm.s32 @p0 $0x1  }
0x13: {  	[smem:$0x3FA5] =	sst s0;
	s0 =	simm.s32 @!p1 $0x0  }
0x14: {  	s2 =	sld [smem:$0x3F89];
	s0 =	simm.s32 @p1 $0x1  }
0x15: {  	[smem:$0x3FA6] =	sst s0;
	s0 =	simm.s32 @!p2 $0x0  }
0x16: {  	s3 =	sld [smem:$0x3FDB];
	s0 =	simm.s32 @p2 $0x1  }
0x17: {  	s4 =	simm.s32 $0x1BF5;
	[smem:$0x3FA8] =	sst s0  }
0x18: {  	s0 =	sld [smem:$0x3F8B];
	_ =	swait.ge [sflag:s4], $0x0  }
0x19: {  	s7 =	sld [smem:$0x3F8C]  }
0x1a: {  	s8 =	sadd.s32 $0xFFFFE003, lr  }
0x1b: {  	s9 =	sadd.s32 $0xFFFFFEF7, lr;
	s5 =	simm.s32 $0xFFFFFFFF;
	p2 =	slt.u32 s8, $0xFFFFF086  }
0x1c: {  	p1 =	slt.u32 s9, $0xF7A;
	s5 =	simm.s32 @!p2 $0x0  }
0x1d: {  	s5 =	simm.s32 @p1 $0x1;
	p0 =	seq.s32 s7, s2  }
0x1e: {  	s7 =	smul.u32 @!p0 $0xF7A, s2;
	p2 =	seq.s32 @!p0 s5, $0x0  }
0x1f: {  	s9 =	smul.u32 $0xF7A, s1;
	s8 =	simm.s32 @!p0 $0x1BF5;
	p2 =	por !p2, p0  }
0x20: {  	[sflag:s8] =	ssyncset.s32 @!p0 $0xFFFFF086;
	s6 =	sadd.s32 @!p0 s3, s7;
	s7 =	simm.s32 @!p0 $0x108  }
0x21: {  	s3 =	sadd.s32 s3, s9;
	s6 =	sadd.s32 @!p0 $0x88, s6;
	s7 =	simm.s32 @p2 $0x1082  }
0x22: {  	[simem:s7], [sflag:s8] =	dma.local @!p0 [hbm:s6], $0xF7A  }
0x23: {  	s9 =	sor.u32 $0xD0000000, s2;
	s6 =	simm.s32 $0x108;
	_ =	swait.ge @!p0 [sflag:s8], $0x0  }
0x24: {  	s3 =	sadd.s32 $0x88, s3;
	s6 =	simm.s32 @!p1 $0x1082;
	[sflag:s4] =	ssyncset.s32 $0xFFFFF086  }
0x25: {  	[simem:s6], [sflag:s4] =	dma.local [hbm:s3], $0xF7A  }
0x26: {  	[smem:$0x3F8C] =	sst s1;
	(tag) =	ssettag s2;
	_ =	strace s9  }
0x27: {  	s1 =	sld [smem:$0x3F9C]  }
0x28: {  	s2 =	sld [smem:$0x3F9D]  }
0x29: {  	s4 =	sld [smem:$0x3F9F]  }
0x2a: {  	p0 =	seq.s32 s5, $0x0;
	s5 =	sld [smem:$0x3FA0]  }
0x2b: {  	s6 =	sld [smem:$0x3FA1]  }
0x2c: {  	s7 =	sld [smem:$0x3FA2]  }
0x2d: {  	s3 =	simm.s32 $0x108;
	s8 =	sld [smem:$0x3FA3]  }
0x2e: {  	s3 =	simm.s32 @!p0 $0x1082;
	s9 =	sld [smem:$0x3FA4]  }
0x2f: {  	lr =	sadd.s32 s0, s3;
	s0 =	sld [smem:$0x3F9B]  }
0x30: {  	s3 =	sld [smem:$0x3F9E]  }
0x31: {  	[smem:$0x3FA7] =	sst s10  }
0x32: {  	s10 =	sld [smem:$0x3FA5];
	_ =	sdelay $0x3  }
0x33: {  	p0 =	seq.s32 s10, $0x1;
	s10 =	sld [smem:$0x3FA7];
	_ =	sdelay $0x3  }
0x34: {  	[smem:$0x3FA7] =	sst s10  }
0x35: {  	s10 =	sld [smem:$0x3FA6];
	_ =	sdelay $0x3  }
0x36: {  	p1 =	seq.s32 s10, $0x1;
	s10 =	sld [smem:$0x3FA7];
	_ =	sdelay $0x3  }
0x37: {  	[smem:$0x3FA7] =	sst s10  }
0x38: {  	s10 =	sld [smem:$0x3FA8]  }
0x39: {  	_ = 	snop;
	(pc) =	sbr.ind lr, $3  }
0x3a: {  	_ = 	snop  }
0x3b: {  	_ = 	snop  }
0x3c: {  	p2 =	seq.s32 s10, $0x1;
	s10 =	sld [smem:$0x3FA7]  }
0x3d: {  	_ =	shalt  }
0x3e: {  	_ =	shalt  }
0x3f: {  	_ =	shalt  }
0x40: {  	_ =	shalt  }
0x41: {  	_ =	shalt  }
0x42: {  	_ =	shalt  }
0x43: {  	_ =	shalt  }
0x44: {  	_ =	shalt  }
0x45: {  	_ =	shalt  }
0x46: {  	_ =	shalt  }
0x47: {  	_ =	shalt  }
0x48: {  	_ =	shalt  }
0x49: {  	_ =	shalt  }
0x4a: {  	_ =	shalt  }
0x4b: {  	_ =	shalt  }
0x4c: {  	_ =	shalt  }
0x4d: {  	_ =	shalt  }
0x4e: {  	_ =	shalt  }
0x4f: {  	_ =	shalt  }
0x50: {  	_ =	shalt  }
0x51: {  	_ =	shalt  }
0x52: {  	_ =	shalt  }
0x53: {  	_ =	shalt  }
0x54: {  	_ =	shalt  }
0x55: {  	_ =	shalt  }
0x56: {  	_ =	shalt  }
0x57: {  	_ =	shalt  }
0x58: {  	_ =	shalt  }
0x59: {  	_ =	shalt  }
0x5a: {  	_ =	shalt  }
0x5b: {  	_ =	shalt  }
0x5c: {  	_ =	shalt  }
0x5d: {  	_ =	shalt  }
0x5e: {  	_ =	shalt  }
0x5f: {  	_ =	shalt  }
0x60: {  	_ =	shalt  }
0x61: {  	_ =	shalt  }
0x62: {  	_ =	shalt  }
0x63: {  	_ =	shalt  }
0x64: {  	_ =	shalt  }
0x65: {  	_ =	shalt  }
0x66: {  	_ =	shalt  }
0x67: {  	_ =	shalt  }
0x68: {  	_ =	shalt  }
0x69: {  	_ =	shalt  }
0x6a: {  	_ =	shalt  }
0x6b: {  	_ =	shalt  }
0x6c: {  	_ =	shalt  }
0x6d: {  	_ =	shalt  }
0x6e: {  	_ =	shalt  }
0x6f: {  	_ =	shalt  }
0x70: {  	_ =	shalt  }
0x71: {  	_ =	shalt  }
0x72: {  	_ =	shalt  }
0x73: {  	_ =	shalt  }
0x74: {  	_ =	shalt  }
0x75: {  	_ =	shalt  }
0x76: {  	_ =	shalt  }
0x77: {  	_ =	shalt  }
0x78: {  	_ =	shalt  }
0x79: {  	_ =	shalt  }
0x7a: {  	_ =	shalt  }
0x7b: {  	_ =	shalt  }
0x7c: {  	_ =	shalt  }
0x7d: {  	_ =	shalt  }
0x7e: {  	_ =	shalt  }
0x7f: {  	_ =	shalt  }
0x80: {  	_ =	shalt  }
0x81: {  	_ =	shalt  }
0x82: {  	_ =	shalt  }
0x83: {  	_ =	shalt  }
0x84: {  	_ =	shalt  }
0x85: {  	_ =	shalt  }
0x86: {  	_ =	shalt  }
0x87: {  	_ =	shalt  }
.Lfunc_end0:
.L_simem_size_0:
called_computation.2_lowered:
.L_overlay_start_0:
0x88: {  	s2 =	sld [smem:$0x3FD9]  }
0x89: {  	s3 =	sld [smem:$0x3FFE];
	_ =	sdelay $0x1  }
0x8a: {  	s1 =	srdreg.scid  }
0x8b: {  	s0 =	sand.u32 $0x1, s1  }
0x8c: {  	s16 =	sshll.u32 s0, $0xA;
	s2 =	sadd.s32 s3, s2  }
0x8d: {  	s2 =	sadd.s32 s2, s16  }
0x8e: {  	[smem:$0x3FB3] =	sst s2  }
0x8f: {  	_ = 	snop  }
0x90: {  	(tm) =	ssettm $0x1  }
0x91: {  	s17 =	sld [smem:$0x3FFB];
	_ =	sdelay $0x3  }
0x92: {  	_ =	strace s17  }
0x93: {  	s2 =	sld [smem:$0x3FFC];
	_ =	sdelay $0x3  }
0x94: {  	_ =	strace s2  }
0x95: {  	s2 =	sld [smem:$0x3FFD];
	_ =	sdelay $0x3  }
0x96: {  	_ =	strace s2  }
0x97: {  	_ =	strace $0x8FFFFFFF  }
0x98: {  	s18 =	sld [smem:$0x3FDB];
	_ =	sdelay $0x1  }
0x99: {  	s19 =	simm.s32 $_scs_section_size  }
0x9a: {  	s4 =	simm.s32 $_size__tile_overlayer_lowered;
	s5 =	simm.s32 $_tile_overlayer_lowered  }
0x9b: {  	s22 =	simm.s32 $0x1BFF;
	s21 =	sshll.u32 s5, $0x1;
	s2 =	sadd.s32 s19, s18  }
0x9c: {  	s6 =	simm.s32 $0x0;
	s20 =	sshll.u32 s4, $0x1;
	s4 =	sadd.s32 s21, s2  }
0x9d: {  	[timem:s6], [sflag:s22] =	dma.local [hbm:s4], s20  }
0x9e: {  	_ =	swait.ge [sflag:s22], s20  }
0x9f: {  	s3 =	ssub.s32 $0x0, s20;
	[sflag:s22] =	ssyncset.done $0x0  }
0xa0: {  	[sflag:s22] =	ssyncadd.s32 s3;
	_ =	sdelay $0x1  }
0xa1: {  	s23 =	simm.s32 $0x1B8B  }
0xa2: {  	_ =	swait.ge [sflag:s23], $0x1  }
0xa3: {  	[sflag:s23] =	ssyncset.done $0x0  }
0xa4: {  	s25 =	simm.s32 $0x1B8E;
	s24 =	sld [smem:$0x3FFE];
	[sflag:s23] =	ssyncadd.s32 $0xFFFFFFFF  }
0xa5: {  	s26 =	simm.s32 $execute0_lowered;
	[smem:$0x3FD2] =	sst s25  }
0xa6: {  	s4 =	sshll.u32 s26, $0x1;
	_ =	strace $0x80000049;
	[dreg:$0x1] =	wrdreg $0xFFFFFFFF  }
0xa7: {  	s28 =	simm.s32 $_size_execute0_lowered;
	s2 =	sadd.s32 s2, s4;
	[dreg:$0x0] =	wrdreg $0x0  }
0xa8: {  	s4 =	sshll.u32 s28, $0x1;
	[dreg:$0x2] =	wrdreg s2  }
0xa9: {  	[dreg:$0x3] =	wrdreg s4  }
0xaa: {  	[dreg:$0x4] =	wrdreg $0xC0  }
0xab: {  	_ =	task [dreg:s6], $0x5FFFF  }
0xac: {  	[dreg:$0x1] =	wrdreg $0xFFFFFFFF  }
0xad: {  	[dreg:$0x0] =	wrdreg $0x60  }
0xae: {  	[dreg:$0x2] =	wrdreg s24  }
0xaf: {  	[dreg:$0x3] =	wrdreg $0xA  }
0xb0: {  	_ =	task.clear_ibuf [dreg:s6], $0x4FFFF;
	_ =	strace $0x90000049  }
0xb1: {  	s29 =	simm.s32 $0xA;
	_ =	strace $0x8000004B  }
0xb2: {  	_ =	swait.ge [sflag:s29], $0x1  }
0xb3: {  	[sflag:s29] =	ssyncadd.s32 $0xFFFFFFFF  }
0xb4: {  	_ =	strace $0x9000004B  }
0xb5: {  	_ =	sfence  }
0xb6: {  	s30 =	sld [smem:$0x0];
	_ =	sdelay $0x2  }
0xb7: {  	s31 =	sshll.u32 s1, $0xD;
	s1 =	sshrl.u32 s1, $0x2  }
0xb8: {  	s3 =	sand.u32 $0x4000, s31;
	s1 =	sadd.s32 s1, s30  }
0xb9: {  	s0 =	sor.u32 s3, s0;
	s1 =	sshll.u32 s1, $0x11  }
0xba: {  	s0 =	sor.u32 s1, s0  }
0xbb: {  	s0 =	sadd.s32 $0x8F2B, s0  }
0xbc: {  	[sflag:s0] =	ssyncadd.remote.s32 $0x1  }
0xbd: {  	_ =	sfence.sel $0xFFFF  }
0xbe: {  	[dreg:$0x0] =	wrdreg $0xFFFFFFFF;
	(pc) =	sbr.abs _section_cstart, $3  }
0xbf: {  	[dreg:$0x1] =	wrdreg $0xFFFFFFFF  }
0xc0: {  	_ =	task.clear_ibuf [dreg:s6], $0x2FFFF;
	_ =	strace $0x9FFFFFFF  }
0xc1: {  	(tm) =	ssettm $0x7FFFFFFF  }
tec
execute0_lowered:
.L_overlay_start_1:
0x0: {  	(tag) =	ssettag $0x1  }
0x1: {  	s7 =	rddreg [dreg:$0x0]  }
0x2: {  	s0 =	rddreg [dreg:$0x1];
	_ =	strace $0x8000004A  }
0x3: {  	s1 =	srdreg.scid;
	s4 =	simm.s32 $0x1;
	s9 =	simm.s32 $0x3  }
0x4: {  	s12 =	simm.s32 $0x0;
	s10 =	simm.s32 $0x0;
	s5 =	sshll.u32 s1, $0x4  }
.Ltmp0:
0x5: {  	s1 =	stileid.u32;
	s5 =	sand.u32 $0x10, s5;
	(pc) =	sbr.rel .LBB2_1-.Ltmp0, $4  }
0x6: {  	s2 =	sadd.s32 $0xE2E00, s7;
	s3 =	sadd.s32 $0x81200, s7;
	s6 =	sor.u32 s1, s5  }
0x7: {  	[sflag:s4] =	ssyncpa.u1 $0x0;
	s5 =	simm.s32 $0x2;
	s6 =	sshll.u32 s6, $0x6  }
0x8: {  	s7 =	sadd.s32 $0x81400, s7;
	[sflag:s5] =	ssyncpa.u1 $0x0;
	s8 =	sadd.s32 $0x40, s6  }
0x9: {  	vm0 =	vmmov $0xff;
	vm1 =	vcmask $0x3F20;
	[sflag:s9] =	ssyncpa.u1 $0x0;
	s9 =	simm.s32 $0x40;
	s11 =	smov.u32 s6  }
.LBB2_9:
0xa: {  	p0 =	seq.s32 s10, $0x2  }
.Ltmp1:
0xb: {  	_ = 	snop;
	(pc) =	sbr.rel @p0 .LBB2_11-.Ltmp1, $1  }
0xc: {  	_ =	sdelay $0x3  }
.LBB2_10:
0xd: {  	s12 =	sadd.s32 $0x40, s11  }
0xe: {  	s13 =	smov.u32 s6;
	p0 =	slt.s32 s12, s8  }
0xf: {  	s13 =	smov.u32 @p0 s12  }
0x10: {  	s10 =	sadd.s32 $0x1, s10;
	s12 =	smov.u32 s11;
	s11 =	smov.u32 s13  }
.LBB2_1:
0x11: {  	p0 =	sne.s32 s10, $0x0  }
.Ltmp2:
0x12: {  	_ = 	snop;
	(pc) =	sbr.rel @!p0 .LBB2_2-.Ltmp2, $1  }
0x13: {  	_ =	sdelay $0x3  }
0x14: {  	s13 =	sand.u32 $0x1, s10  }
0x15: {  	p0 =	seq.s32 s13, $0x0  }
.Ltmp3:
0x16: {  	_ = 	snop;
	(pc) =	sbr.rel @p0 .LBB2_9-.Ltmp3, $1  }
0x17: {  	_ =	sdelay $0x3  }
0x18: {  	_ =	swait.ge [sflag:s5], $0x40  }
0x19: {  	[sflag:s5] =	ssyncset.done $0x0  }
0x1a: {  	s13 =	simm.s32 $0x0;
	[sflag:s5] =	ssyncadd.s32 $0xFFFFFFC0  }
0x1b: {  	v0 =	vld.msk [tilespmem:s13+$0x40 ss:$0x1], $0xffff;
	_ =	sdelay $0x4  }
0x1c: {  	v1 =	vshll.u32 v0, $0x3  }
0x1d: {  	vm2 =	veq.s32 v0, $0x80000000;
	v0 =	vshll.u32 v0, $0x10;
	v1 =	vand.u32 $0xFF80, v1  }
0x1e: {  	v0 =	vand.u32 $0xF0000, v0;
	v1 =	vsel vm2, $0xFFFFFF80, v1  }
0x1f: {  	v0 =	vsel vm2, $0xFFFF0000, v0;
	v2 =	vand.u32 $0xFFFFFC00, v1  }
0x20: {  	v1 =	vand.u32 $0x380, v1;
	v0 =	vadd.s32 v0, v2  }
0x21: {  	v0 =	vor.u32 v1, v0  }
0x22: {  	v0 =	vshrl.u32 v0, $0x3;
	_ =	sdelay $0x3  }
0x23: {  	s13 =	simm.s32 $0x2080  }
0x24: {  	[tilespmem:s13], [sflag:$0x1] =	stream.indirect_vreg.gather [hbm:s2], $0x80, v0, vm0, $0x38;
	[tilespmem:$0x4080] =	vst v63  }
0x25: {  	s14 =	simm.s32 $0x2480;
	s31 =	simm.s32 $0x10  }
0x26: {  	[tilespmem:s14], [sflag:$0x1] =	stream.indirect_vreg.gather [hbm:s2], $0x80, v0, vm1, $0x38;
	[tilespmem:$0x4080] =	vst v63  }
0x27: {  	s14 =	simm.s32 $0x80;
	v0 =	vld.msk [tilespmem:s31+$0x40 ss:$0x1], $0xffff  }
.LBB2_5:
0x28: {  	p0 =	sne.s32 s14, $0xC0;
	_ =	sdelay $0x4  }
0x29: {  	v1 =	vshll.u32 v0, $0x3  }
0x2a: {  	vm2 =	veq.s32 v0, $0x80000000;
	v0 =	vshll.u32 v0, $0x10;
	v1 =	vand.u32 $0xFF80, v1  }
0x2b: {  	v0 =	vand.u32 $0xF0000, v0;
	v1 =	vsel vm2, $0xFFFFFF80, v1  }
0x2c: {  	v0 =	vsel vm2, $0xFFFF0000, v0;
	v2 =	vand.u32 $0xFFFFFC00, v1  }
0x2d: {  	v1 =	vand.u32 $0x380, v1;
	v0 =	vadd.s32 v0, v2  }
0x2e: {  	v0 =	vor.u32 v1, v0  }
0x2f: {  	v0 =	vshrl.u32 v0, $0x3;
	_ =	sdelay $0x3  }
.Ltmp4:
0x30: {  	s13 =	sadd.s32 $0x800, s13;
	(pc) =	sbr.rel @p0 .LBB2_5-.Ltmp4, $4  }
0x31: {  	[tilespmem:s13], [sflag:$0x1] =	stream.indirect_vreg.gather [hbm:s2], $0x80, v0, vm0, $0x38;
	[tilespmem:$0x4080] =	vst v63  }
0x32: {  	s15 =	sshra.s32 s14, $0x2;
	s16 =	sadd.s32 $0x400, s13  }
0x33: {  	[tilespmem:s16], [sflag:$0x1] =	stream.indirect_vreg.gather [hbm:s2], $0x80, v0, vm1, $0x38;
	[tilespmem:$0x4080] =	vst v63  }
0x34: {  	s14 =	sadd.s32 $0x40, s14;
	v0 =	vld.msk [tilespmem:s15+$0x40 ss:$0x1], $0xffff  }
0x35: {  	_ =	sdelay $0x3  }
0x36: {  	v1 =	vshll.u32 v0, $0x3  }
0x37: {  	vm2 =	veq.s32 v0, $0x80000000;
	v63 =	vshll.u32 v0, $0x10;
	v1 =	vand.u32 $0xFF80, v1  }
0x38: {  	v0 =	vand.u32 $0xF0000, v63;
	v1 =	vsel vm2, $0xFFFFFF80, v1  }
0x39: {  	v0 =	vsel vm2, $0xFFFF0000, v0;
	v2 =	vand.u32 $0xFFFFFC00, v1  }
0x3a: {  	v1 =	vand.u32 $0x380, v1;
	v0 =	vadd.s32 v0, v2  }
0x3b: {  	v0 =	vor.u32 v1, v0  }
0x3c: {  	v0 =	vshrl.u32 v0, $0x3;
	_ =	sdelay $0x3  }
0x3d: {  	s13 =	sadd.s32 $0x800, s13  }
0x3e: {  	[tilespmem:s13], [sflag:$0x1] =	stream.indirect_vreg.gather [hbm:s2], $0x80, v0, vm0, $0x38;
	[tilespmem:$0x4080] =	vst v63  }
0x3f: {  	s13 =	sadd.s32 $0x400, s13  }
0x40: {  	[tilespmem:s13], [sflag:$0x1] =	stream.indirect_vreg.gather [hbm:s2], $0x80, v0, vm1, $0x38;
	[tilespmem:$0x4080] =	vst v63  }
0x41: {  	s12 =	sshll.u32 s12, $0x4;
	s14 =	simm.s32 $0x80;
	_ =	swait.ge [sflag:s4], $0x2000  }
0x42: {  	s15 =	simm.s32 $0x2480;
	s12 =	sadd.s32 s12, s7;
	[sflag:s4] =	ssyncset.done $0x0  }
0x43: {  	s16 =	sadd.s32 $0x0, s12;
	s13 =	simm.s32 $0x2080;
	[sflag:s4] =	ssyncadd.s32 $0xFFFFE000  }
.LBB2_7:
0x44: {  	[hbm:s16] =	stream.linear.scatter [tilespmem:s13], [sflag:$0x3], $0x400, $0x38;
	[tilespmem:$0x4080] =	vst v63  }
0x45: {  	s16 =	smov.u32 s14;
	s13 =	smov.u32 s15;
	p0 =	sne.s32 s14, $0x380  }
.Ltmp5:
0x46: {  	s14 =	sadd.s32 $0x80, s14;
	(pc) =	sbr.rel @p0 .LBB2_7-.Ltmp5, $2  }
0x47: {  	_ =	sdelay $0x2  }
0x48: {  	s15 =	sadd.s32 $0x400, s15;
	s16 =	sadd.s32 s16, s12  }
.Ltmp6:
0x49: {  	(pc) =	sbr.rel .LBB2_9-.Ltmp6, $2  }
0x4a: {  	_ =	sdelay $0x2  }
0x4b: {  	[hbm:s16] =	stream.linear.scatter [tilespmem:s13], [sflag:$0x3], $0x400, $0x38;
	[tilespmem:$0x4080] =	vst v63  }
.LBB2_2:
.Ltmp7:
0x4c: {  	(pc) =	sbr.rel .LBB2_10-.Ltmp7, $4  }
0x4d: {  	_ = 	snop  }
0x4e: {  	s12 =	sshrl.u32 s11, $0x3  }
0x4f: {  	s13 =	sand.u32 $0x7, s11;
	s12 =	sadd.s32 s3, s12  }
0x50: {  	[tilespmem:s9], [sflag:$0x2] =	stream.linear.gather [hbm4b:s12+s13], $0x40, $0x38;
	[tilespmem:$0x4080] =	vst v63  }
.LBB2_11:
0x51: {  	s2 =	simm.s32 $0x3  }
0x52: {  	_ =	swait.ge [sflag:s2], $0x2000  }
0x53: {  	[sflag:s2] =	ssyncset.done $0x0  }
0x54: {  	[sflag:s2] =	ssyncadd.s32 $0xFFFFE000  }
0x55: {  	_ =	sfence.sel $0x180000  }
0x56: {  	s3 =	simm.s32 $0x2;
	[bflag:$0x0] =	sbarrier.arrive $0xFFFF  }
0x57: {  	[sflag:s3] =	ssyncpa.u1 $0x1  }
0x58: {  	s31 =	simm.s32 $0x1;
	[sflag:s2] =	ssyncpa.u1 $0x1  }
0x59: {  	[sflag:s31] =	ssyncpa.u1 $0x1  }
0x5a: {  	p0 =	sne.s32 s1, $0x0;
	_ =	strace $0x9000004A  }
0x5b: {  	s0 =	sadd.s32 @!p0 $0x100000, s0;
	[bflag:$0x2] =	sbarrier.arrive $0xFFFF  }
0x5c: {  	[sflag:s0] =	ssyncadd.tile.s32 @!p0 $0x1;
	_ =	shalt  }
.Lfunc_end2:
_tile_overlayer_lowered:
.L_overlay_start_2:
0x5d: {  	(tag) =	ssettag $0x2  }
0x5e: {  	s0 =	rddreg [dreg:$0x0];
	s2 =	stileid.u32  }
0x5f: {  	s1 =	rddreg [dreg:$0x1];
	p0 =	sne.s32 s2, $0x0  }
0x60: {  	s3 =	rddreg [dreg:$0x2];
	[bflag:$0x3] =	sbarrier.arrive $0xFFFF;
	s2 =	simm.s32 @!p0 $0x1C01  }
0x61: {  	[timem:s3], [sflag:s2] =	dma.local @!p0 [hbm:s0], s1  }
0x62: {  	s0 =	simm.s32 @!p0 $0x1  }
0x63: {  	_ =	swait.ge @!p0 [sflag:s0], s1  }
0x64: {  	s1 =	ssub.s32 @!p0 $0x0, s1;
	[sflag:s0] =	ssyncset.done @!p0 $0x0  }
0x65: {  	[sflag:s0] =	ssyncadd.s32 @!p0 s1  }
0x66: {  	[bflag:$0x3] =	sbarrier.arrive $0xFFFF  }
0x67: {  	_ =	shalt  }

// kernel: gather_offload_async_start
scs
__scs_entry_jumppad:
0x0: {  	(pc) =	sbr.rel $0x88, $3  }
0x1: {  	(tag) =	ssettag $0x0;
	lr =	simm.s32 $0x1  }
0x2: {  	[smem:$0x3F8C] =	sst lr;
	_ =	strace $0xD0000000  }
0x3: {  	_ = 	snop  }
0x4: {  	_ = 	snop  }
0x5: {  	_ = 	snop  }
0x6: {  	_ = 	snop  }
0x7: {  	_ = 	snop  }
__scs_overlays_trampoline_lowered:
0x8: {  	[smem:$0x3F9B] =	sst s0  }
0x9: {  	[smem:$0x3F9C] =	sst s1  }
0xa: {  	[smem:$0x3F9D] =	sst s2  }
0xb: {  	[smem:$0x3F9E] =	sst s3  }
0xc: {  	[smem:$0x3F9F] =	sst s4  }
0xd: {  	[smem:$0x3FA0] =	sst s5  }
0xe: {  	[smem:$0x3FA1] =	sst s6  }
0xf: {  	[smem:$0x3FA2] =	sst s7  }
0x10: {  	[smem:$0x3FA3] =	sst s8  }
0x11: {  	[smem:$0x3FA4] =	sst s9;
	s0 =	simm.s32 @!p0 $0x0  }
0x12: {  	s1 =	sld [smem:$0x3F8A];
	s0 =	simm.s32 @p0 $0x1  }
0x13: {  	[smem:$0x3FA5] =	sst s0;
	s0 =	simm.s32 @!p1 $0x0  }
0x14: {  	s2 =	sld [smem:$0x3F89];
	s0 =	simm.s32 @p1 $0x1  }
0x15: {  	[smem:$0x3FA6] =	sst s0;
	s0 =	simm.s32 @!p2 $0x0  }
0x16: {  	s3 =	sld [smem:$0x3FDB];
	s0 =	simm.s32 @p2 $0x1  }
0x17: {  	s4 =	simm.s32 $0x1BF5;
	[smem:$0x3FA8] =	sst s0  }
0x18: {  	s0 =	sld [smem:$0x3F8B];
	_ =	swait.ge [sflag:s4], $0x0  }
0x19: {  	s7 =	sld [smem:$0x3F8C]  }
0x1a: {  	s8 =	sadd.s32 $0xFFFFE003, lr  }
0x1b: {  	s9 =	sadd.s32 $0xFFFFFEF7, lr;
	s5 =	simm.s32 $0xFFFFFFFF;
	p2 =	slt.u32 s8, $0xFFFFF086  }
0x1c: {  	p1 =	slt.u32 s9, $0xF7A;
	s5 =	simm.s32 @!p2 $0x0  }
0x1d: {  	s5 =	simm.s32 @p1 $0x1;
	p0 =	seq.s32 s7, s2  }
0x1e: {  	s7 =	smul.u32 @!p0 $0xF7A, s2;
	p2 =	seq.s32 @!p0 s5, $0x0  }
0x1f: {  	s9 =	smul.u32 $0xF7A, s1;
	s8 =	simm.s32 @!p0 $0x1BF5;
	p2 =	por !p2, p0  }
0x20: {  	[sflag:s8] =	ssyncset.s32 @!p0 $0xFFFFF086;
	s6 =	sadd.s32 @!p0 s3, s7;
	s7 =	simm.s32 @!p0 $0x108  }
0x21: {  	s3 =	sadd.s32 s3, s9;
	s6 =	sadd.s32 @!p0 $0x88, s6;
	s7 =	simm.s32 @p2 $0x1082  }
0x22: {  	[simem:s7], [sflag:s8] =	dma.local @!p0 [hbm:s6], $0xF7A  }
0x23: {  	s9 =	sor.u32 $0xD0000000, s2;
	s6 =	simm.s32 $0x108;
	_ =	swait.ge @!p0 [sflag:s8], $0x0  }
0x24: {  	s3 =	sadd.s32 $0x88, s3;
	s6 =	simm.s32 @!p1 $0x1082;
	[sflag:s4] =	ssyncset.s32 $0xFFFFF086  }
0x25: {  	[simem:s6], [sflag:s4] =	dma.local [hbm:s3], $0xF7A  }
0x26: {  	[smem:$0x3F8C] =	sst s1;
	(tag) =	ssettag s2;
	_ =	strace s9  }
0x27: {  	s1 =	sld [smem:$0x3F9C]  }
0x28: {  	s2 =	sld [smem:$0x3F9D]  }
0x29: {  	s4 =	sld [smem:$0x3F9F]  }
0x2a: {  	p0 =	seq.s32 s5, $0x0;
	s5 =	sld [smem:$0x3FA0]  }
0x2b: {  	s6 =	sld [smem:$0x3FA1]  }
0x2c: {  	s7 =	sld [smem:$0x3FA2]  }
0x2d: {  	s3 =	simm.s32 $0x108;
	s8 =	sld [smem:$0x3FA3]  }
0x2e: {  	s3 =	simm.s32 @!p0 $0x1082;
	s9 =	sld [smem:$0x3FA4]  }
0x2f: {  	lr =	sadd.s32 s0, s3;
	s0 =	sld [smem:$0x3F9B]  }
0x30: {  	s3 =	sld [smem:$0x3F9E]  }
0x31: {  	[smem:$0x3FA7] =	sst s10  }
0x32: {  	s10 =	sld [smem:$0x3FA5];
	_ =	sdelay $0x3  }
0x33: {  	p0 =	seq.s32 s10, $0x1;
	s10 =	sld [smem:$0x3FA7];
	_ =	sdelay $0x3  }
0x34: {  	[smem:$0x3FA7] =	sst s10  }
0x35: {  	s10 =	sld [smem:$0x3FA6];
	_ =	sdelay $0x3  }
0x36: {  	p1 =	seq.s32 s10, $0x1;
	s10 =	sld [smem:$0x3FA7];
	_ =	sdelay $0x3  }
0x37: {  	[smem:$0x3FA7] =	sst s10  }
0x38: {  	s10 =	sld [smem:$0x3FA8]  }
0x39: {  	_ = 	snop;
	(pc) =	sbr.ind lr, $3  }
0x3a: {  	_ = 	snop  }
0x3b: {  	_ = 	snop  }
0x3c: {  	p2 =	seq.s32 s10, $0x1;
	s10 =	sld [smem:$0x3FA7]  }
0x3d: {  	_ =	shalt  }
0x3e: {  	_ =	shalt  }
0x3f: {  	_ =	shalt  }
0x40: {  	_ =	shalt  }
0x41: {  	_ =	shalt  }
0x42: {  	_ =	shalt  }
0x43: {  	_ =	shalt  }
0x44: {  	_ =	shalt  }
0x45: {  	_ =	shalt  }
0x46: {  	_ =	shalt  }
0x47: {  	_ =	shalt  }
0x48: {  	_ =	shalt  }
0x49: {  	_ =	shalt  }
0x4a: {  	_ =	shalt  }
0x4b: {  	_ =	shalt  }
0x4c: {  	_ =	shalt  }
0x4d: {  	_ =	shalt  }
0x4e: {  	_ =	shalt  }
0x4f: {  	_ =	shalt  }
0x50: {  	_ =	shalt  }
0x51: {  	_ =	shalt  }
0x52: {  	_ =	shalt  }
0x53: {  	_ =	shalt  }
0x54: {  	_ =	shalt  }
0x55: {  	_ =	shalt  }
0x56: {  	_ =	shalt  }
0x57: {  	_ =	shalt  }
0x58: {  	_ =	shalt  }
0x59: {  	_ =	shalt  }
0x5a: {  	_ =	shalt  }
0x5b: {  	_ =	shalt  }
0x5c: {  	_ =	shalt  }
0x5d: {  	_ =	shalt  }
0x5e: {  	_ =	shalt  }
0x5f: {  	_ =	shalt  }
0x60: {  	_ =	shalt  }
0x61: {  	_ =	shalt  }
0x62: {  	_ =	shalt  }
0x63: {  	_ =	shalt  }
0x64: {  	_ =	shalt  }
0x65: {  	_ =	shalt  }
0x66: {  	_ =	shalt  }
0x67: {  	_ =	shalt  }
0x68: {  	_ =	shalt  }
0x69: {  	_ =	shalt  }
0x6a: {  	_ =	shalt  }
0x6b: {  	_ =	shalt  }
0x6c: {  	_ =	shalt  }
0x6d: {  	_ =	shalt  }
0x6e: {  	_ =	shalt  }
0x6f: {  	_ =	shalt  }
0x70: {  	_ =	shalt  }
0x71: {  	_ =	shalt  }
0x72: {  	_ =	shalt  }
0x73: {  	_ =	shalt  }
0x74: {  	_ =	shalt  }
0x75: {  	_ =	shalt  }
0x76: {  	_ =	shalt  }
0x77: {  	_ =	shalt  }
0x78: {  	_ =	shalt  }
0x79: {  	_ =	shalt  }
0x7a: {  	_ =	shalt  }
0x7b: {  	_ =	shalt  }
0x7c: {  	_ =	shalt  }
0x7d: {  	_ =	shalt  }
0x7e: {  	_ =	shalt  }
0x7f: {  	_ =	shalt  }
0x80: {  	_ =	shalt  }
0x81: {  	_ =	shalt  }
0x82: {  	_ =	shalt  }
0x83: {  	_ =	shalt  }
0x84: {  	_ =	shalt  }
0x85: {  	_ =	shalt  }
0x86: {  	_ =	shalt  }
0x87: {  	_ =	shalt  }
.Lfunc_end0:
.L_simem_size_0:
called_computation.1_lowered:
.L_overlay_start_0:
0x88: {  	s2 =	sld [smem:$0x3FD9]  }
0x89: {  	s3 =	sld [smem:$0x3FFE];
	_ =	sdelay $0x1  }
0x8a: {  	s1 =	srdreg.scid  }
0x8b: {  	s0 =	sand.u32 $0x1, s1  }
0x8c: {  	s16 =	sshll.u32 s0, $0xA;
	s2 =	sadd.s32 s3, s2  }
0x8d: {  	s2 =	sadd.s32 s2, s16  }
0x8e: {  	[smem:$0x3FB3] =	sst s2  }
0x8f: {  	_ = 	snop  }
0x90: {  	(tm) =	ssettm $0x1  }
0x91: {  	s17 =	sld [smem:$0x3FFB];
	_ =	sdelay $0x3  }
0x92: {  	_ =	strace s17  }
0x93: {  	s2 =	sld [smem:$0x3FFC];
	_ =	sdelay $0x3  }
0x94: {  	_ =	strace s2  }
0x95: {  	s2 =	sld [smem:$0x3FFD];
	_ =	sdelay $0x3  }
0x96: {  	_ =	strace s2  }
0x97: {  	_ =	strace $0x8FFFFFFF  }
0x98: {  	s18 =	sld [smem:$0x3FDB];
	_ =	sdelay $0x1  }
0x99: {  	s19 =	simm.s32 $_scs_section_size  }
0x9a: {  	s4 =	simm.s32 $_size__tile_overlayer_lowered;
	s5 =	simm.s32 $_tile_overlayer_lowered  }
0x9b: {  	s22 =	simm.s32 $0x1BFF;
	s21 =	sshll.u32 s5, $0x1;
	s2 =	sadd.s32 s19, s18  }
0x9c: {  	s6 =	simm.s32 $0x0;
	s20 =	sshll.u32 s4, $0x1;
	s4 =	sadd.s32 s21, s2  }
0x9d: {  	[timem:s6], [sflag:s22] =	dma.local [hbm:s4], s20  }
0x9e: {  	_ =	swait.ge [sflag:s22], s20  }
0x9f: {  	s3 =	ssub.s32 $0x0, s20;
	[sflag:s22] =	ssyncset.done $0x0  }
0xa0: {  	[sflag:s22] =	ssyncadd.s32 s3;
	_ =	sdelay $0x1  }
0xa1: {  	s23 =	simm.s32 $0x1B8B  }
0xa2: {  	_ =	swait.ge [sflag:s23], $0x1  }
0xa3: {  	[sflag:s23] =	ssyncset.done $0x0  }
0xa4: {  	s25 =	simm.s32 $0x1B8E;
	s24 =	sld [smem:$0x3FFE];
	[sflag:s23] =	ssyncadd.s32 $0xFFFFFFFF  }
0xa5: {  	s26 =	simm.s32 $execute0_lowered;
	[smem:$0x3FD2] =	sst s25  }
0xa6: {  	s4 =	sshll.u32 s26, $0x1;
	_ =	strace $0x80000046;
	[dreg:$0x1] =	wrdreg $0xFFFFFFFF  }
0xa7: {  	s28 =	simm.s32 $_size_execute0_lowered;
	s2 =	sadd.s32 s2, s4;
	[dreg:$0x0] =	wrdreg $0x0  }
0xa8: {  	s4 =	sshll.u32 s28, $0x1;
	[dreg:$0x2] =	wrdreg s2  }
0xa9: {  	[dreg:$0x3] =	wrdreg s4  }
0xaa: {  	[dreg:$0x4] =	wrdreg $0xC0  }
0xab: {  	_ =	task [dreg:s6], $0x5FFFF  }
0xac: {  	[dreg:$0x1] =	wrdreg $0xFFFFFFFF  }
0xad: {  	[dreg:$0x0] =	wrdreg $0x60  }
0xae: {  	[dreg:$0x2] =	wrdreg s24  }
0xaf: {  	[dreg:$0x3] =	wrdreg $0x9  }
0xb0: {  	_ =	task.clear_ibuf [dreg:s6], $0x4FFFF;
	_ =	strace $0x90000046  }
0xb1: {  	s29 =	simm.s32 $0x9;
	_ =	strace $0x80000048  }
0xb2: {  	_ =	swait.ge [sflag:s29], $0x1  }
0xb3: {  	[sflag:s29] =	ssyncadd.s32 $0xFFFFFFFF  }
0xb4: {  	_ =	strace $0x90000048  }
0xb5: {  	_ =	sfence  }
0xb6: {  	s30 =	sld [smem:$0x0];
	_ =	sdelay $0x2  }
0xb7: {  	s31 =	sshll.u32 s1, $0xD;
	s1 =	sshrl.u32 s1, $0x2  }
0xb8: {  	s3 =	sand.u32 $0x4000, s31;
	s1 =	sadd.s32 s1, s30  }
0xb9: {  	s0 =	sor.u32 s3, s0;
	s1 =	sshll.u32 s1, $0x11  }
0xba: {  	s0 =	sor.u32 s1, s0  }
0xbb: {  	s0 =	sadd.s32 $0x8F2B, s0  }
0xbc: {  	[sflag:s0] =	ssyncadd.remote.s32 $0x1  }
0xbd: {  	_ =	sfence.sel $0xFFFF  }
0xbe: {  	[dreg:$0x0] =	wrdreg $0xFFFFFFFF;
	(pc) =	sbr.abs _section_cstart, $3  }
0xbf: {  	[dreg:$0x1] =	wrdreg $0xFFFFFFFF  }
0xc0: {  	_ =	task.clear_ibuf [dreg:s6], $0x2FFFF;
	_ =	strace $0x9FFFFFFF  }
0xc1: {  	(tm) =	ssettm $0x7FFFFFFF  }
tec
execute0_lowered:
.L_overlay_start_1:
0x0: {  	(tag) =	ssettag $0x1  }
0x1: {  	s7 =	rddreg [dreg:$0x0]  }
0x2: {  	s0 =	rddreg [dreg:$0x1];
	_ =	strace $0x80000047  }
0x3: {  	s1 =	srdreg.scid;
	s4 =	simm.s32 $0x1;
	s9 =	simm.s32 $0x3  }
0x4: {  	s12 =	simm.s32 $0x0;
	s10 =	simm.s32 $0x0;
	s5 =	sshll.u32 s1, $0x4  }
.Ltmp0:
0x5: {  	s1 =	stileid.u32;
	s5 =	sand.u32 $0x10, s5;
	(pc) =	sbr.rel .LBB2_1-.Ltmp0, $4  }
0x6: {  	s2 =	sadd.s32 $0x200, s7;
	s3 =	sadd.s32 $0x80200, s7;
	s6 =	sor.u32 s1, s5  }
0x7: {  	[sflag:s4] =	ssyncpa.u1 $0x0;
	s5 =	simm.s32 $0x2;
	s6 =	sshll.u32 s6, $0x8  }
0x8: {  	s7 =	sadd.s32 $0x80600, s7;
	[sflag:s5] =	ssyncpa.u1 $0x0;
	s8 =	sadd.s32 $0x100, s6  }
0x9: {  	vm0 =	vmmov $0xff;
	vm1 =	vcmask $0x3F20;
	[sflag:s9] =	ssyncpa.u1 $0x0;
	s9 =	simm.s32 $0x100;
	s11 =	smov.u32 s6  }
.LBB2_9:
0xa: {  	p0 =	seq.s32 s10, $0x2  }
.Ltmp1:
0xb: {  	_ = 	snop;
	(pc) =	sbr.rel @p0 .LBB2_11-.Ltmp1, $1  }
0xc: {  	_ =	sdelay $0x3  }
.LBB2_10:
0xd: {  	s12 =	sadd.s32 $0x100, s11  }
0xe: {  	s13 =	smov.u32 s6;
	p0 =	slt.s32 s12, s8  }
0xf: {  	s13 =	smov.u32 @p0 s12  }
0x10: {  	s10 =	sadd.s32 $0x1, s10;
	s12 =	smov.u32 s11;
	s11 =	smov.u32 s13  }
.LBB2_1:
0x11: {  	p0 =	sne.s32 s10, $0x0  }
.Ltmp2:
0x12: {  	_ = 	snop;
	(pc) =	sbr.rel @!p0 .LBB2_2-.Ltmp2, $1  }
0x13: {  	_ =	sdelay $0x3  }
0x14: {  	s13 =	sand.u32 $0x1, s10  }
0x15: {  	p0 =	seq.s32 s13, $0x0  }
.Ltmp3:
0x16: {  	_ = 	snop;
	(pc) =	sbr.rel @p0 .LBB2_9-.Ltmp3, $1  }
0x17: {  	_ =	sdelay $0x3  }
0x18: {  	_ =	swait.ge [sflag:s5], $0x100  }
0x19: {  	[sflag:s5] =	ssyncset.done $0x0  }
0x1a: {  	s13 =	simm.s32 $0x0;
	[sflag:s5] =	ssyncadd.s32 $0xFFFFFF00  }
0x1b: {  	v0 =	vld.msk [tilespmem:s13+$0x100 ss:$0x1], $0xffff;
	_ =	sdelay $0x4  }
0x1c: {  	v1 =	vshll.u32 v0, $0x3  }
0x1d: {  	vm2 =	veq.s32 v0, $0x80000000;
	v0 =	vshll.u32 v0, $0x12;
	v1 =	vand.u32 $0x3FF80, v1  }
0x1e: {  	v0 =	vand.u32 $0x3C0000, v0;
	v1 =	vsel vm2, $0xFFFFFF80, v1  }
0x1f: {  	v0 =	vsel vm2, $0xFFFC0000, v0;
	v2 =	vand.u32 $0xFFFFFC00, v1  }
0x20: {  	v1 =	vand.u32 $0x380, v1;
	v0 =	vadd.s32 v0, v2  }
0x21: {  	v0 =	vor.u32 v1, v0  }
0x22: {  	v0 =	vshrl.u32 v0, $0x3;
	_ =	sdelay $0x3  }
0x23: {  	s13 =	simm.s32 $0x8200  }
0x24: {  	[tilespmem:s13], [sflag:$0x1] =	stream.indirect_vreg.gather [hbm:s2], $0x80, v0, vm0, $0x38;
	[tilespmem:$0x10200] =	vst v63  }
0x25: {  	s14 =	simm.s32 $0x8600;
	s31 =	simm.s32 $0x10  }
0x26: {  	[tilespmem:s14], [sflag:$0x1] =	stream.indirect_vreg.gather [hbm:s2], $0x80, v0, vm1, $0x38;
	[tilespmem:$0x10200] =	vst v63  }
0x27: {  	s14 =	simm.s32 $0x80;
	v0 =	vld.msk [tilespmem:s31+$0x100 ss:$0x1], $0xffff  }
.LBB2_5:
0x28: {  	p0 =	sne.s32 s14, $0x3C0;
	_ =	sdelay $0x4  }
0x29: {  	v1 =	vshll.u32 v0, $0x3  }
0x2a: {  	vm2 =	veq.s32 v0, $0x80000000;
	v0 =	vshll.u32 v0, $0x12;
	v1 =	vand.u32 $0x3FF80, v1  }
0x2b: {  	v0 =	vand.u32 $0x3C0000, v0;
	v1 =	vsel vm2, $0xFFFFFF80, v1  }
0x2c: {  	v0 =	vsel vm2, $0xFFFC0000, v0;
	v2 =	vand.u32 $0xFFFFFC00, v1  }
0x2d: {  	v1 =	vand.u32 $0x380, v1;
	v0 =	vadd.s32 v0, v2  }
0x2e: {  	v0 =	vor.u32 v1, v0  }
0x2f: {  	v0 =	vshrl.u32 v0, $0x3;
	_ =	sdelay $0x3  }
.Ltmp4:
0x30: {  	s13 =	sadd.s32 $0x800, s13;
	(pc) =	sbr.rel @p0 .LBB2_5-.Ltmp4, $4  }
0x31: {  	[tilespmem:s13], [sflag:$0x1] =	stream.indirect_vreg.gather [hbm:s2], $0x80, v0, vm0, $0x38;
	[tilespmem:$0x10200] =	vst v63  }
0x32: {  	s15 =	sshra.s32 s14, $0x2;
	s16 =	sadd.s32 $0x400, s13  }
0x33: {  	[tilespmem:s16], [sflag:$0x1] =	stream.indirect_vreg.gather [hbm:s2], $0x80, v0, vm1, $0x38;
	[tilespmem:$0x10200] =	vst v63  }
0x34: {  	s14 =	sadd.s32 $0x40, s14;
	v0 =	vld.msk [tilespmem:s15+$0x100 ss:$0x1], $0xffff  }
0x35: {  	_ =	sdelay $0x3  }
0x36: {  	v1 =	vshll.u32 v0, $0x3  }
0x37: {  	vm2 =	veq.s32 v0, $0x80000000;
	v63 =	vshll.u32 v0, $0x12;
	v1 =	vand.u32 $0x3FF80, v1  }
0x38: {  	v0 =	vand.u32 $0x3C0000, v63;
	v1 =	vsel vm2, $0xFFFFFF80, v1  }
0x39: {  	v0 =	vsel vm2, $0xFFFC0000, v0;
	v2 =	vand.u32 $0xFFFFFC00, v1  }
0x3a: {  	v1 =	vand.u32 $0x380, v1;
	v0 =	vadd.s32 v0, v2  }
0x3b: {  	v0 =	vor.u32 v1, v0  }
0x3c: {  	v0 =	vshrl.u32 v0, $0x3;
	_ =	sdelay $0x3  }
0x3d: {  	s13 =	sadd.s32 $0x800, s13  }
0x3e: {  	[tilespmem:s13], [sflag:$0x1] =	stream.indirect_vreg.gather [hbm:s2], $0x80, v0, vm0, $0x38;
	[tilespmem:$0x10200] =	vst v63  }
0x3f: {  	s13 =	sadd.s32 $0x400, s13  }
0x40: {  	[tilespmem:s13], [sflag:$0x1] =	stream.indirect_vreg.gather [hbm:s2], $0x80, v0, vm1, $0x38;
	[tilespmem:$0x10200] =	vst v63  }
0x41: {  	s12 =	sshll.u32 s12, $0x4;
	s14 =	simm.s32 $0x80;
	_ =	swait.ge [sflag:s4], $0x8000  }
0x42: {  	s15 =	simm.s32 $0x8600;
	s12 =	sadd.s32 s12, s7;
	[sflag:s4] =	ssyncset.done $0x0  }
0x43: {  	s16 =	sadd.s32 $0x0, s12;
	s13 =	simm.s32 $0x8200;
	[sflag:s4] =	ssyncadd.s32 $0xFFFF8000  }
.LBB2_7:
0x44: {  	[hbm:s16] =	stream.linear.scatter [tilespmem:s13], [sflag:$0x3], $0x400, $0x38;
	[tilespmem:$0x10200] =	vst v63  }
0x45: {  	s16 =	smov.u32 s14;
	s13 =	smov.u32 s15;
	p0 =	sne.s32 s14, $0xF80  }
.Ltmp5:
0x46: {  	s14 =	sadd.s32 $0x80, s14;
	(pc) =	sbr.rel @p0 .LBB2_7-.Ltmp5, $2  }
0x47: {  	_ =	sdelay $0x2  }
0x48: {  	s15 =	sadd.s32 $0x400, s15;
	s16 =	sadd.s32 s16, s12  }
.Ltmp6:
0x49: {  	(pc) =	sbr.rel .LBB2_9-.Ltmp6, $2  }
0x4a: {  	_ =	sdelay $0x2  }
0x4b: {  	[hbm:s16] =	stream.linear.scatter [tilespmem:s13], [sflag:$0x3], $0x400, $0x38;
	[tilespmem:$0x10200] =	vst v63  }
.LBB2_2:
.Ltmp7:
0x4c: {  	(pc) =	sbr.rel .LBB2_10-.Ltmp7, $4  }
0x4d: {  	_ = 	snop  }
0x4e: {  	s12 =	sshrl.u32 s11, $0x3  }
0x4f: {  	s13 =	sand.u32 $0x7, s11;
	s12 =	sadd.s32 s3, s12  }
0x50: {  	[tilespmem:s9], [sflag:$0x2] =	stream.linear.gather [hbm4b:s12+s13], $0x100, $0x38;
	[tilespmem:$0x10200] =	vst v63  }
.LBB2_11:
0x51: {  	s2 =	simm.s32 $0x3  }
0x52: {  	_ =	swait.ge [sflag:s2], $0x8000  }
0x53: {  	[sflag:s2] =	ssyncset.done $0x0  }
0x54: {  	[sflag:s2] =	ssyncadd.s32 $0xFFFF8000  }
0x55: {  	_ =	sfence.sel $0x180000  }
0x56: {  	s3 =	simm.s32 $0x2;
	[bflag:$0x0] =	sbarrier.arrive $0xFFFF  }
0x57: {  	[sflag:s3] =	ssyncpa.u1 $0x1  }
0x58: {  	s31 =	simm.s32 $0x1;
	[sflag:s2] =	ssyncpa.u1 $0x1  }
0x59: {  	[sflag:s31] =	ssyncpa.u1 $0x1  }
0x5a: {  	p0 =	sne.s32 s1, $0x0;
	_ =	strace $0x90000047  }
0x5b: {  	s0 =	sadd.s32 @!p0 $0x100000, s0;
	[bflag:$0x2] =	sbarrier.arrive $0xFFFF  }
0x5c: {  	[sflag:s0] =	ssyncadd.tile.s32 @!p0 $0x1;
	_ =	shalt  }
.Lfunc_end2:
_tile_overlayer_lowered:
.L_overlay_start_2:
0x5d: {  	(tag) =	ssettag $0x2  }
0x5e: {  	s0 =	rddreg [dreg:$0x0];
	s2 =	stileid.u32  }
0x5f: {  	s1 =	rddreg [dreg:$0x1];
	p0 =	sne.s32 s2, $0x0  }
0x60: {  	s3 =	rddreg [dreg:$0x2];
	[bflag:$0x3] =	sbarrier.arrive $0xFFFF;
	s2 =	simm.s32 @!p0 $0x1C01  }
0x61: {  	[timem:s3], [sflag:s2] =	dma.local @!p0 [hbm:s0], s1  }
0x62: {  	s0 =	simm.s32 @!p0 $0x1  }
0x63: {  	_ =	swait.ge @!p0 [sflag:s0], s1  }
0x64: {  	s1 =	ssub.s32 @!p0 $0x0, s1;
	[sflag:s0] =	ssyncset.done @!p0 $0x0  }
0x65: {  	[sflag:s0] =	ssyncadd.s32 @!p0 s1  }
0x66: {  	[bflag:$0x3] =	sbarrier.arrive $0xFFFF  }
0x67: {  	_ =	shalt  }

// kernel: sparse-core-data-format-call.cloned.1.call-start
scs
called_computation_lowered:
.L_overlay_start_0:
0x0: {  	s2 =	sld [smem:$0x3FD9]  }
0x1: {  	s3 =	sld [smem:$0x3FFE];
	_ =	sdelay $0x1  }
0x2: {  	s1 =	srdreg.scid  }
0x3: {  	s0 =	sand.u32 $0x1, s1  }
0x4: {  	s18 =	sshll.u32 s0, $0xA;
	s2 =	sadd.s32 s3, s2  }
0x5: {  	s2 =	sadd.s32 s2, s18  }
0x6: {  	[smem:$0x3FB3] =	sst s2  }
0x7: {  	_ = 	snop  }
0x8: {  	(tm) =	ssettm $0x1  }
0x9: {  	s19 =	sld [smem:$0x3FFB];
	_ =	sdelay $0x3  }
0xa: {  	_ =	strace s19  }
0xb: {  	s2 =	sld [smem:$0x3FFC];
	_ =	sdelay $0x3  }
0xc: {  	_ =	strace s2  }
0xd: {  	s2 =	sld [smem:$0x3FFD];
	_ =	sdelay $0x3  }
0xe: {  	_ =	strace s2  }
0xf: {  	_ =	strace $0x8FFFFFFF  }
0x10: {  	s20 =	sld [smem:$0x3FDB];
	_ =	sdelay $0x1  }
0x11: {  	s21 =	simm.s32 $_scs_section_size  }
0x12: {  	s4 =	simm.s32 $_size__tile_overlayer_lowered;
	s5 =	simm.s32 $_tile_overlayer_lowered  }
0x13: {  	s6 =	simm.s32 $0x1BFF;
	s22 =	sshll.u32 s5, $0x1;
	s3 =	sadd.s32 s21, s20  }
0x14: {  	s23 =	simm.s32 $0x0;
	s4 =	sshll.u32 s4, $0x1;
	s5 =	sadd.s32 s22, s3  }
0x15: {  	[timem:s23], [sflag:s6] =	dma.local [hbm:s5], s4  }
0x16: {  	_ =	swait.ge [sflag:s6], s4  }
0x17: {  	s4 =	ssub.s32 $0x0, s4;
	[sflag:s6] =	ssyncset.done $0x0  }
0x18: {  	[sflag:s6] =	ssyncadd.s32 s4;
	_ =	sdelay $0x1  }
0x19: {  	s24 =	simm.s32 $0x1B8B  }
0x1a: {  	_ =	swait.ge [sflag:s24], $0x1  }
0x1b: {  	[sflag:s24] =	ssyncset.done $0x0  }
0x1c: {  	[sflag:s24] =	ssyncadd.s32 $0xFFFFFFFF  }
0x1d: {  	s4 =	sld [smem:$0x0]  }
0x1e: {  	s5 =	sand.u32 $0xFFFFFFFE, s1  }
0x1f: {  	p0 =	sne.s32 s1, s5  }
0x20: {  	s5 =	sshll.u32 @p0 s5, $0xE  }
0x21: {  	s5 =	sadd.s32 @p0 $0x11B8D, s5;
	s6 =	sshll.u32 @p0 s4, $0x11  }
0x22: {  	s5 =	sor.u32 @p0 s6, s5  }
0x23: {  	[sflag:s5] =	ssyncadd.remote.s32 @p0 $0x1;
	_ =	sdelay $0x1  }
0x24: {  	s5 =	simm.s32 @p0 $0x1B8D  }
0x25: {  	_ =	swait.eq @p0 [sflag:s5], $0x1  }
0x26: {  	[sflag:s5] =	ssyncadd.s32 @p0 $0xFFFFFFFF  }
0x27: {  	s6 =	sshll.u32 @!p0 s1, $0xE  }
0x28: {  	s6 =	sor.u32 @!p0 $0x4000, s6;
	s5 =	simm.s32 @!p0 $0x1B8D  }
0x29: {  	s4 =	sshll.u32 @!p0 s4, $0x11;
	s6 =	sadd.s32 @!p0 $0x11B8D, s6;
	_ =	swait.eq @!p0 [sflag:s5], $0x1  }
0x2a: {  	s4 =	sor.u32 @!p0 s4, s6;
	[sflag:s5] =	ssyncadd.s32 @!p0 $0xFFFFFFFF  }
0x2b: {  	s26 =	simm.s32 $0x1B8E;
	s25 =	sld [smem:$0x3FFE];
	[sflag:s4] =	ssyncadd.remote.s32 @!p0 $0x1  }
0x2c: {  	s27 =	simm.s32 $execute0_lowered;
	[smem:$0x3FD2] =	sst s26  }
0x2d: {  	s5 =	sshll.u32 s27, $0x1;
	_ =	strace $0x8000004C;
	[dreg:$0x1] =	wrdreg $0xFFFFFFFF  }
0x2e: {  	s28 =	simm.s32 $_size_execute0_lowered;
	s3 =	sadd.s32 s3, s5;
	[dreg:$0x0] =	wrdreg $0x0  }
0x2f: {  	s5 =	sshll.u32 s28, $0x1;
	[dreg:$0x2] =	wrdreg s3  }
0x30: {  	[dreg:$0x3] =	wrdreg s5  }
0x31: {  	[dreg:$0x4] =	wrdreg $0xC0  }
0x32: {  	_ =	task [dreg:s23], $0x5FFFF  }
0x33: {  	[dreg:$0x1] =	wrdreg $0xFFFFFFFF  }
0x34: {  	[dreg:$0x0] =	wrdreg $0x60  }
0x35: {  	[dreg:$0x2] =	wrdreg s25  }
0x36: {  	[dreg:$0x3] =	wrdreg $0x9  }
0x37: {  	_ =	task.clear_ibuf [dreg:s23], $0x4FFFF;
	_ =	strace $0x9000004C  }
0x38: {  	s29 =	simm.s32 $0x9;
	_ =	strace $0x8000004E  }
0x39: {  	_ =	swait.ge [sflag:s29], $0x1  }
0x3a: {  	[sflag:s29] =	ssyncadd.s32 $0xFFFFFFFF  }
0x3b: {  	_ =	strace $0x9000004E  }
0x3c: {  	_ =	sfence  }
0x3d: {  	s30 =	sld [smem:$0x0];
	_ =	sdelay $0x2  }
0x3e: {  	s31 =	sshll.u32 s1, $0xD;
	s1 =	sshrl.u32 s1, $0x2  }
0x3f: {  	s4 =	sand.u32 $0x4000, s31;
	s1 =	sadd.s32 s1, s30  }
0x40: {  	s0 =	sor.u32 s4, s0;
	s1 =	sshll.u32 s1, $0x11  }
0x41: {  	s0 =	sor.u32 s1, s0  }
0x42: {  	s0 =	sadd.s32 $0x8F2B, s0  }
0x43: {  	[sflag:s0] =	ssyncadd.remote.s32 $0x1  }
0x44: {  	_ =	sfence.sel $0xFFFF  }
0x45: {  	[dreg:$0x0] =	wrdreg $0xFFFFFFFF;
	(pc) =	sbr.abs _section_cstart, $3  }
0x46: {  	[dreg:$0x1] =	wrdreg $0xFFFFFFFF  }
0x47: {  	_ =	task.clear_ibuf [dreg:s23], $0x2FFFF;
	_ =	strace $0x9FFFFFFF  }
0x48: {  	(tm) =	ssettm $0x7FFFFFFF  }
0x49: {  	_ =	shalt  }
tec
execute0_lowered:
.L_overlay_start_1:
0x0: {  	(tag) =	ssettag $0x1  }
0x1: {  	s0 =	srdreg.scid;
	s3 =	rddreg [dreg:$0x0];
	s5 =	simm.s32 $0x1  }
0x2: {  	s7 =	simm.s32 $0x2;
	s15 =	simm.s32 $0x0;
	p0 =	por $0x0, $0x0  }
0x3: {  	s8 =	simm.s32 $0x1000;
	s13 =	simm.s32 $0x0;
	s1 =	sshll.u32 s0, $0x7  }
0x4: {  	s14 =	simm.s32 $0x0;
	s9 =	simm.s32 $0x0;
	s1 =	sand.u32 $0x80, s1  }
0x5: {  	s0 =	rddreg [dreg:$0x1];
	_ =	strace $0x8000004D;
	s6 =	ssub.s32 $0x200, s1  }
.Ltmp0:
0x6: {  	s2 =	sadd.s32 $0x102E00, s3;
	s31 =	sshrl.u32 s6, $0x7;
	(pc) =	sbr.rel .LBB1_1-.Ltmp0, $4  }
0x7: {  	s4 =	sadd.s32 $0x302E00, s3;
	s6 =	sshrl.u32 s6, $0x8;
	s3 =	sand.u32 $0x1, s31  }
0x8: {  	s11 =	stileid.u32;
	[sflag:s5] =	ssyncpa.u1 $0x0;
	s6 =	sadd.s32 s6, s3  }
0x9: {  	s12 =	simm.s32 $0x0;
	[sflag:s7] =	ssyncpa.u1 $0x0;
	s6 =	sshll.u32 s6, $0x4  }
0xa: {  	s10 =	smov.u32 s1;
	s3 =	stileid.u32;
	s7 =	sor.u32 $0x1, s6  }
.LBB1_4:
0xb: {  	v5 =	vld [tilespmem:s18+$0xFFFFFFD0];
	[tilespmem:s19+$0x2040 ss:$0x81] =	vst.msk $0xffff, v1  }
0xc: {  	v58 =	vld [tilespmem:s18+$0xFFFFFFE0];
	[tilespmem:s19+$0x2850 ss:$0x81] =	vst.msk $0xffff, v2  }
0xd: {  	s20 =	sshra.s32 s20, $0x2;
	v59 =	vld [tilespmem:s18+$0xFFFFFFF0];
	[tilespmem:s19+$0x3060 ss:$0x81] =	vst.msk $0xffff, v3  }
0xe: {  	v60 =	vld [tilespmem:s18+$0x0];
	[tilespmem:s19+$0x0 ss:$0x81] =	vst.msk $0xffff, v0;
	s17 =	sadd.s32 s20, s17  }
0xf: {  	v61 =	vld [tilespmem:s18+$0x10];
	s25 =	sshll.u32 s15, $0x9;
	[tilespmem:s17+$0x3870 ss:$0x81] =	vst.msk $0xffff, v4  }
0x10: {  	s26 =	sshll.u32 s13, $0x3;
	v62 =	vld [tilespmem:s18+$0x20];
	s27 =	sshll.u32 s15, $0x7;
	s30 =	sand.u32 $0x78, s13;
	[tilespmem:s17+$0x810 ss:$0x81] =	vst.msk $0xffff, v5  }
0x11: {  	v63 =	vld [tilespmem:s18+$0xFFFFFFC0];
	s14 =	sshll.u32 s14, $0x11;
	s19 =	sand.u32 $0xFF000, s25;
	s20 =	sand.u32 $0xFFC00, s26;
	[tilespmem:s17+$0x1020 ss:$0x81] =	vst.msk $0xffff, v58  }
0x12: {  	s29 =	sand.u32 $0x200, s27;
	s15 =	sand.u32 $0x180, s27;
	s28 =	sadd.s32 s20, s19;
	[tilespmem:s17+$0x1830 ss:$0x81] =	vst.msk $0xffff, v59  }
0x13: {  	s31 =	sand.u32 $0x7, s13;
	s15 =	sor.u32 s30, s15;
	s18 =	sor.u32 s29, s28;
	[tilespmem:s17+$0x2040 ss:$0x81] =	vst.msk $0xffff, v60  }
0x14: {  	s14 =	sadd.s32 s4, s14;
	s15 =	sshrl.u32 s15, $0x3;
	s18 =	sshrl.u32 s18, $0x3;
	[tilespmem:s17+$0x2850 ss:$0x81] =	vst.msk $0xffff, v61  }
0x15: {  	s13 =	sshll.u32 s31, $0x12;
	s14 =	sadd.s32 s15, s14;
	[tilespmem:s17+$0x3060 ss:$0x81] =	vst.msk $0xffff, v62;
	s18 =	sand.u32 $0x1FFC0, s18  }
0x16: {  	s13 =	sor.u32 $0x400, s13;
	[tilespmem:s17+$0x0 ss:$0x81] =	vst.msk $0xffff, v63;
	s14 =	sadd.s32 s18, s14  }
0x17: {  	[hbm4b:s14+s13] =	stream.strided.scatter [tilespmem:s16], [sflag:$0x2], $0x4000, s8, s13, $0x20;
	[tilespmem:$0x10100] =	vst v63  }
.LBB1_5:
0x18: {  	s16 =	sadd.s32 $0x80, s9  }
0x19: {  	s13 =	sadd.s32 $0x100, s10;
	s17 =	smov.u32 s10;
	p2 =	sgt.s32 s16, $0x7FF  }
0x1a: {  	s17 =	smov.u32 @p2 s13  }
0x1b: {  	s19 =	smov.u32 s11;
	s13 =	sadd.s32 $0x10, s11;
	p3 =	sgt.s32 s17, $0x1FF  }
0x1c: {  	s19 =	smov.u32 @p3 s13  }
0x1d: {  	s16 =	simm.s32 @p2 $0x0;
	p2 =	sgt.s32 s19, $0xF  }
0x1e: {  	p1 =	slt.u32 s12, $0x2;
	s19 =	smov.u32 @p2 s3;
	p2 =	sne.s32 s12, s7  }
.Ltmp1:
0x1f: {  	s18 =	simm.s32 @!p1 $0x2;
	(pc) =	sbr.rel @!p2 .LBB1_6-.Ltmp1, $4  }
0x20: {  	s15 =	smov.u32 s9;
	s14 =	smov.u32 s11;
	_ =	swait.ge @!p1 [sflag:s18], $0x4000  }
0x21: {  	p0 =	por !p0, !p0;
	[sflag:s18] =	ssyncset.done @!p1 $0x0;
	s9 =	smov.u32 s16  }
0x22: {  	s17 =	smov.u32 @p3 s1;
	s13 =	smov.u32 s10;
	[sflag:s18] =	ssyncadd.s32 @!p1 $0xFFFFC000  }
0x23: {  	s10 =	smov.u32 s17;
	s12 =	sadd.s32 $0x1, s12;
	s11 =	smov.u32 s19  }
.LBB1_1:
0x24: {  	p1 =	sge.u32 s12, s6;
	s31 =	sadd.s32 $0xFFFFFFFF, s12  }
0x25: {  	s16 =	sxor.u32 @!p1 $0xFFFFFFFF, s12;
	s17 =	sand.u32 @!p1 $0x78, s9;
	s18 =	sshll.u32 @!p1 s10, $0xB  }
0x26: {  	s19 =	sshll.u32 @!p1 s10, $0x7;
	s20 =	sshll.u32 @!p1 s9, $0x3;
	s16 =	sshll.u32 @!p1 s16, $0xE  }
0x27: {  	s18 =	sand.u32 @!p1 $0xFC000, s18;
	s19 =	sand.u32 @!p1 $0x380, s19;
	s16 =	sand.u32 @!p1 $0x4000, s16  }
0x28: {  	s18 =	sadd.s32 @!p1 s18, s20;
	s20 =	sand.u32 @!p1 $0x400, s20;
	s17 =	sor.u32 @!p1 s19, s17  }
0x29: {  	s19 =	sshll.u32 @!p1 s11, $0x11;
	s17 =	sor.u32 @!p1 s20, s17;
	s18 =	sshrl.u32 @!p1 s18, $0x3  }
0x2a: {  	s19 =	sadd.s32 @!p1 s2, s19;
	s20 =	sand.u32 @!p1 $0x7, s9;
	s18 =	sand.u32 @!p1 $0x1FF00, s18  }
0x2b: {  	s17 =	sshrl.u32 @!p1 s17, $0x3;
	s18 =	sadd.s32 @!p1 s18, s19;
	s19 =	sshll.u32 @!p1 s20, $0x12  }
0x2c: {  	s17 =	sadd.s32 @!p1 s17, s18;
	s18 =	sor.u32 @!p1 $0x400, s19;
	s19 =	simm.s32 @!p1 $0x4000  }
0x2d: {  	[tilespmem:s16], [sflag:$0x1] =	stream.strided.gather @!p1 [hbm4b:s17+s18], $0x4000, s19, s18, $0x38;
	[tilespmem:$0x10100] =	vst v63  }
0x2e: {  	p1 =	sge.u32 s31, s6  }
.Ltmp2:
0x2f: {  	_ = 	snop;
	(pc) =	sbr.rel @p1 .LBB1_5-.Ltmp2, $1  }
0x30: {  	_ =	sdelay $0x3  }
0x31: {  	s16 =	simm.s32 $0x1  }
0x32: {  	_ =	swait.ge [sflag:s5], $0x4000;
	s16 =	simm.s32 @!p0 $0x0  }
0x33: {  	[sflag:s5] =	ssyncset.done $0x0;
	s17 =	sshll.u32 s16, $0xE  }
0x34: {  	[sflag:s5] =	ssyncadd.s32 $0xFFFFC000;
	s18 =	sor.u32 $0x40, s17  }
0x35: {  	s16 =	smul.u32 $0x10200, s16;
	v0 =	vld [tilespmem:s18+$0x30]  }
0x36: {  	v3 =	vld [tilespmem:s18+$0xFFFFFFD0]  }
0x37: {  	s16 =	sshrl.u32 s16, $0x2;
	v4 =	vld [tilespmem:s18+$0xFFFFFFE0]  }
0x38: {  	v5 =	vld [tilespmem:s18+$0xFFFFFFF0];
	s17 =	sor.u32 $0x8000, s16  }
0x39: {  	s31 =	sand.u32 $0x1, s12;
	v1 =	vld [tilespmem:s18+$0x0];
	s19 =	sadd.s32 $0x0, s17  }
0x3a: {  	v2 =	vld [tilespmem:s18+$0x10];
	s16 =	smul.u32 $0x10200, s31;
	[tilespmem:s19+$0x3870 ss:$0x81] =	vst.msk $0xffff, v0  }
0x3b: {  	[tilespmem:s19+$0x810 ss:$0x81] =	vst.msk $0xffff, v3;
	v3 =	vld [tilespmem:s18+$0x20]  }
0x3c: {  	s16 =	sshrl.u32 s16, $0x2;
	v0 =	vld [tilespmem:s18+$0xFFFFFFC0];
	[tilespmem:s19+$0x1020 ss:$0x81] =	vst.msk $0xffff, v4;
	s18 =	sadd.s32 $0x80, s18  }
0x3d: {  	s20 =	simm.s32 $0x4;
	s21 =	simm.s32 $0x8;
	s16 =	sor.u32 $0x8000, s16;
	[tilespmem:s19+$0x1830 ss:$0x81] =	vst.msk $0xffff, v5;
	v4 =	vld [tilespmem:s18+$0x30]  }
.LBB1_3:
0x3e: {  	p1 =	sne.s32 s21, $0x1FC;
	v5 =	vld [tilespmem:s18+$0xFFFFFFD0];
	[tilespmem:s19+$0x2040 ss:$0x81] =	vst.msk $0xffff, v1  }
0x3f: {  	v6 =	vld [tilespmem:s18+$0xFFFFFFE0];
	[tilespmem:s19+$0x2850 ss:$0x81] =	vst.msk $0xffff, v2  }
0x40: {  	s22 =	sshra.s32 s20, $0x2;
	s20 =	smov.u32 s21;
	v7 =	vld [tilespmem:s18+$0xFFFFFFF0];
	[tilespmem:s19+$0x3060 ss:$0x81] =	vst.msk $0xffff, v3  }
.Ltmp3:
0x41: {  	v1 =	vld [tilespmem:s18+$0x0];
	[tilespmem:s19+$0x0 ss:$0x81] =	vst.msk $0xffff, v0;
	s19 =	sadd.s32 s22, s17;
	(pc) =	sbr.rel @p1 .LBB1_3-.Ltmp3, $4  }
0x42: {  	v2 =	vld [tilespmem:s18+$0x10];
	[tilespmem:s19+$0x3870 ss:$0x81] =	vst.msk $0xffff, v4  }
0x43: {  	[tilespmem:s19+$0x810 ss:$0x81] =	vst.msk $0xffff, v5;
	v3 =	vld [tilespmem:s18+$0x20]  }
0x44: {  	v0 =	vld [tilespmem:s18+$0xFFFFFFC0];
	[tilespmem:s19+$0x1020 ss:$0x81] =	vst.msk $0xffff, v6;
	s18 =	sadd.s32 $0x80, s18  }
0x45: {  	s21 =	sadd.s32 $0x4, s21;
	v4 =	vld [tilespmem:s18+$0x30];
	[tilespmem:s19+$0x1830 ss:$0x81] =	vst.msk $0xffff, v7  }
.Ltmp4:
0x46: {  	_ = 	snop;
	(pc) =	sbr.rel .LBB1_4-.Ltmp4, $1  }
0x47: {  	_ =	sdelay $0x3  }
.LBB1_6:
0x48: {  	_ =	sfence.sel $0x180000  }
0x49: {  	s1 =	simm.s32 $0x1;
	[bflag:$0x0] =	sbarrier.arrive $0xFFFF  }
0x4a: {  	s31 =	simm.s32 $0x2;
	[sflag:s1] =	ssyncpa.u1 $0x1  }
0x4b: {  	[sflag:s31] =	ssyncpa.u1 $0x1  }
0x4c: {  	p0 =	sne.s32 s3, $0x0;
	_ =	strace $0x9000004D  }
0x4d: {  	s0 =	sadd.s32 @!p0 $0x100000, s0;
	[bflag:$0x2] =	sbarrier.arrive $0xFFFF  }
0x4e: {  	[sflag:s0] =	ssyncadd.tile.s32 @!p0 $0x1;
	_ =	shalt  }
.Lfunc_end1:
_tile_overlayer_lowered:
.L_overlay_start_2:
0x4f: {  	(tag) =	ssettag $0x2  }
0x50: {  	s0 =	rddreg [dreg:$0x0];
	s2 =	stileid.u32  }
0x51: {  	s1 =	rddreg [dreg:$0x1];
	p0 =	sne.s32 s2, $0x0  }
0x52: {  	s3 =	rddreg [dreg:$0x2];
	[bflag:$0x3] =	sbarrier.arrive $0xFFFF;
	s2 =	simm.s32 @!p0 $0x1C01  }
0x53: {  	[timem:s3], [sflag:s2] =	dma.local @!p0 [hbm:s0], s1  }
0x54: {  	s0 =	simm.s32 @!p0 $0x1  }
0x55: {  	_ =	swait.ge @!p0 [sflag:s0], s1  }
0x56: {  	s1 =	ssub.s32 @!p0 $0x0, s1;
	[sflag:s0] =	ssyncset.done @!p0 $0x0  }
0x57: {  	[sflag:s0] =	ssyncadd.s32 @!p0 s1  }
0x58: {  	[bflag:$0x3] =	sbarrier.arrive $0xFFFF  }
0x59: {  	_ =	shalt  }

</sc_bundles>
